<compile_context>
chip_gen: v7x
topology: tpu7x:2x2x1
jax: 0.10.2.dev20260603
libtpu: 0.0.44.dev20260713+nightly
codegen_flags: <defaults>
</compile_context>

<pallas_src>
import functools

import jax
import jax.numpy as jnp
from jax import lax
from jax.experimental import pallas as pl
from jax.experimental.pallas import tpu as pltpu
from jax.experimental.pallas import tpu_sc as plsc

VOCAB = 100000
D = 16
B = 16384

_info = plsc.get_sparse_core_info()
NC, NS, L = _info.num_cores, _info.num_subcores, _info.num_lanes
HALF = B // NC
CHUNK = 4096
NCH = HALF // CHUNK
RED = HALF // NS

_mesh = plsc.VectorSubcoreMesh(core_axis_name="c", subcore_axis_name="s")


@functools.partial(
    pl.kernel,
    out_type=jax.ShapeDtypeStruct((B,), jnp.float32),
    mesh=_mesh,
    scratch_types=[
        pltpu.VMEM_SHARED((NS, HALF), jnp.float32),
        pltpu.VMEM((VOCAB,), jnp.float32),
        pltpu.VMEM((CHUNK,), jnp.int32),
        pltpu.VMEM((CHUNK,), jnp.int32),
        pltpu.VMEM((CHUNK,), jnp.float32),
        pltpu.VMEM((NS, RED), jnp.float32),
        pltpu.VMEM((RED,), jnp.float32),
        pltpu.SemaphoreType.DMA,
    ],
    compiler_params=pltpu.CompilerParams(
        needs_layout_passes=False, use_tc_tiling_on_sc=True),
)
def _w2v_kernel(tableT_hbm, pairT_hbm, out_hbm,
                shared, slice_v, cen_ch, ctx_ch, prod_ch, red_buf, acc,
                sem):
    d = lax.axis_index("s")
    c = lax.axis_index("c")
    hbase = c * HALF

    slice_cp = pltpu.async_copy(tableT_hbm.at[d], slice_v, sem)
    pltpu.sync_copy(pairT_hbm.at[0, pl.ds(hbase, CHUNK)], cen_ch)
    pltpu.sync_copy(pairT_hbm.at[1, pl.ds(hbase, CHUNK)], ctx_ch)
    slice_cp.wait()

    def chunk_body(ch, carry):
        base = hbase + ch * CHUNK

        @pl.when(ch > 0)
        def _():
            pltpu.sync_copy(pairT_hbm.at[0, pl.ds(base, CHUNK)], cen_ch)
            pltpu.sync_copy(pairT_hbm.at[1, pl.ds(base, CHUNK)], ctx_ch)

        @plsc.parallel_loop(0, CHUNK, step=L, unroll=8)
        def group_body(o):
            ci = cen_ch[pl.ds(o, L)]
            xi = ctx_ch[pl.ds(o, L)]
            cv = plsc.load_gather(slice_v, [ci])
            xv = plsc.load_gather(slice_v, [xi])
            prod_ch[pl.ds(o, L)] = cv * xv
        pltpu.sync_copy(prod_ch, shared.at[d, pl.ds(ch * CHUNK, CHUNK)])
        return carry

    lax.fori_loop(0, NCH, chunk_body, None)
    plsc.subcore_barrier()

    pltpu.sync_copy(shared.at[:, pl.ds(d * RED, RED)], red_buf)

    def red_body(g, carry):
        s = jnp.zeros((L,), jnp.float32)
        for dd in range(NS):
            s = s + red_buf[dd, pl.ds(g * L, L)]
        acc[pl.ds(g * L, L)] = s
        return carry

    lax.fori_loop(0, RED // L, red_body, None)
    pltpu.sync_copy(acc, out_hbm.at[pl.ds(hbase + d * RED, RED)])


def kernel(pair, label, table):
    del label
    pair = jnp.reshape(pair, (-1, 2)).astype(jnp.int32)
    sims = _w2v_kernel(table.T, pair.T)
    return jnp.reshape(sims, (B, 1))

# --- scband reference (transcript-rebuilt; emitter-appended) ---
"""Pipeline reference for scband-word2-vec-57200374448743 (READ-ONLY COPY).

The authoritative reference and input builder live on the scoring server;
editing this copy changes nothing except your own understanding.
"""

import jax, jax.numpy as jnp
import numpy as np

VOCAB_SIZE = 100000
EMBED_DIM = 16
BATCH = 16384

def setup_inputs(seed: int = 0) -> dict:
    key = jax.random.key(seed)
    k_table, k_pair = jax.random.split(key, 2)
    # Learned embedding table (Keras Embedding default: uniform init)
    table = jax.random.uniform(k_table, (VOCAB_SIZE, EMBED_DIM), dtype=jnp.float32, minval=-0.05, maxval=0.05)
    pair = jax.random.randint(k_pair, (BATCH, 2), 0, VOCAB_SIZE, dtype=jnp.int64 if jax.config.jax_enable_x64 else jnp.int32)
    label = jnp.ones((BATCH,), dtype=jnp.float32)
    return {"pair": pair, "label": label, "table": table}

def reference(pair, label, table):
    # Faithful translation of Word2Vec.call:
    #   pair, label = inputs; pair = reshape(pair, (-1, 2))
    #   center = Embedding(pair[:,0]); context = Embedding(pair[:,1])
    #   similarity = Dot(axes=1, normalize=False)([center, context]) -> [B, 1]
    pair = jnp.reshape(pair, (-1, 2))
    center_embedding = jnp.take(table, pair[:, 0], axis=0)
    context_embedding = jnp.take(table, pair[:, 1], axis=0)
    similarity_score = jnp.sum(center_embedding * context_embedding, axis=1, keepdims=True)
    return similarity_score

if __name__ == "__main__":
    import jax
    _d = setup_inputs()
    print(jax.jit(kernel)(*tuple(_d.values())))

</pallas_src>

<mosaic_0001>
#map = affine_map<(d0, d1) -> (0, 0)>
#map1 = affine_map<(d0, d1) -> (0)>
module attributes {stable_mosaic.version = 14 : i64} {
  func.func @_w2v_kernel(%arg0: i32, %arg1: i32, %arg2: memref<16x100000xf32, #tpu.memory_space<hbm>>, %arg3: memref<2x16384xi32, #tpu.memory_space<hbm>>, %arg4: memref<16384xf32, #tpu.memory_space<hbm>>, %arg5: memref<16x8192xf32, #tpu.memory_space<vmem_shared>>, %arg6: memref<100000xf32, #tpu.memory_space<vmem>>, %arg7: memref<4096xi32, #tpu.memory_space<vmem>>, %arg8: memref<4096xi32, #tpu.memory_space<vmem>>, %arg9: memref<4096xf32, #tpu.memory_space<vmem>>, %arg10: memref<16x512xf32, #tpu.memory_space<vmem>>, %arg11: memref<512xf32, #tpu.memory_space<vmem>>, %arg12: memref<!tpu.dma_semaphore, #tpu.memory_space<semaphore_mem>>) attributes {dimension_semantics = [#tpu.dimension_semantics<core_parallel>, #tpu.dimension_semantics<subcore_parallel>], iteration_bounds = array<i64: 2, 16>, scalar_prefetch = 0 : i64, scratch_operands = 8 : i64, tpu.core_type = #tpu.core_type<sc_vector_subcore>, window_params = [{transform_indices = #map}, {transform_indices = #map}, {transform_indices = #map1}]} {
    %mul3A = arith.constant 8192 : i32
    %mul3A_0 = arith.muli %arg0, %mul3A : i32
    %dma_start3A = arith.constant 0 : i32
    %dma_start3A_1 = tpu.memref_slice %arg2[%arg1, %dma_start3A] : memref<16x100000xf32, #tpu.memory_space<hbm>> -> memref<1x100000xf32, #tpu.memory_space<hbm>>
    %dma_start3A_2 = tpu.memref_squeeze %dma_start3A_1 : memref<1x100000xf32, #tpu.memory_space<hbm>> -> memref<100000xf32, #tpu.memory_space<hbm>>
    %dma_start3A_3 = arith.constant 0 : i32
    %dma_start3A_4 = tpu.memref_slice %arg2[%arg1, %dma_start3A_3] : memref<16x100000xf32, #tpu.memory_space<hbm>> -> memref<1x100000xf32, #tpu.memory_space<hbm>>
    %dma_start3A_5 = tpu.memref_squeeze %dma_start3A_4 : memref<1x100000xf32, #tpu.memory_space<hbm>> -> memref<100000xf32, #tpu.memory_space<hbm>>
    tpu.enqueue_dma source(%dma_start3A_5 : memref<100000xf32, #tpu.memory_space<hbm>>) target(%arg6 : memref<100000xf32, #tpu.memory_space<vmem>>) target_semaphore(%arg12 : memref<!tpu.dma_semaphore, #tpu.memory_space<semaphore_mem>>)
    %run_scoped3A = arith.constant 0 : i32
    "tpu.region"() ({
      %run_scoped3A_25 = tpu.sem_alloc : memref<!tpu.dma_semaphore, #tpu.memory_space<semaphore_mem>>
      %dma_start3A_26 = tpu.memref_slice %arg3[%run_scoped3A, %mul3A_0] : memref<2x16384xi32, #tpu.memory_space<hbm>> -> memref<1x4096xi32, #tpu.memory_space<hbm>>
      %dma_start3A_27 = tpu.memref_squeeze %dma_start3A_26 : memref<1x4096xi32, #tpu.memory_space<hbm>> -> memref<4096xi32, #tpu.memory_space<hbm>>
      %dma_start3A_28 = tpu.memref_slice %arg3[%run_scoped3A, %mul3A_0] : memref<2x16384xi32, #tpu.memory_space<hbm>> -> memref<1x4096xi32, #tpu.memory_space<hbm>>
      %dma_start3A_29 = tpu.memref_squeeze %dma_start3A_28 : memref<1x4096xi32, #tpu.memory_space<hbm>> -> memref<4096xi32, #tpu.memory_space<hbm>>
      tpu.enqueue_dma source(%dma_start3A_29 : memref<4096xi32, #tpu.memory_space<hbm>>) target(%arg7 : memref<4096xi32, #tpu.memory_space<vmem>>) target_semaphore(%run_scoped3A_25 : memref<!tpu.dma_semaphore, #tpu.memory_space<semaphore_mem>>)
      %dma_wait3A_30 = tpu.memref_slice %arg3[%run_scoped3A, %mul3A_0] : memref<2x16384xi32, #tpu.memory_space<hbm>> -> memref<1x4096xi32, #tpu.memory_space<hbm>>
      %dma_wait3A_31 = tpu.memref_squeeze %dma_wait3A_30 : memref<1x4096xi32, #tpu.memory_space<hbm>> -> memref<4096xi32, #tpu.memory_space<hbm>>
      %dma_wait3A_32 = tpu.memref_slice %arg3[%run_scoped3A, %mul3A_0] : memref<2x16384xi32, #tpu.memory_space<hbm>> -> memref<1x4096xi32, #tpu.memory_space<hbm>>
      %dma_wait3A_33 = tpu.memref_squeeze %dma_wait3A_32 : memref<1x4096xi32, #tpu.memory_space<hbm>> -> memref<4096xi32, #tpu.memory_space<hbm>>
      tpu.wait_dma2 semaphore(%run_scoped3A_25 : memref<!tpu.dma_semaphore, #tpu.memory_space<semaphore_mem>>) src(%dma_wait3A_33 : memref<4096xi32, #tpu.memory_space<hbm>>) dst(%arg7 : memref<4096xi32, #tpu.memory_space<vmem>>)
      tpu.yield
    }) : () -> ()
    %run_scoped3A_6 = arith.constant 1 : i32
    "tpu.region"() ({
      %run_scoped3A_25 = tpu.sem_alloc : memref<!tpu.dma_semaphore, #tpu.memory_space<semaphore_mem>>
      %dma_start3A_26 = tpu.memref_slice %arg3[%run_scoped3A_6, %mul3A_0] : memref<2x16384xi32, #tpu.memory_space<hbm>> -> memref<1x4096xi32, #tpu.memory_space<hbm>>
      %dma_start3A_27 = tpu.memref_squeeze %dma_start3A_26 : memref<1x4096xi32, #tpu.memory_space<hbm>> -> memref<4096xi32, #tpu.memory_space<hbm>>
      %dma_start3A_28 = tpu.memref_slice %arg3[%run_scoped3A_6, %mul3A_0] : memref<2x16384xi32, #tpu.memory_space<hbm>> -> memref<1x4096xi32, #tpu.memory_space<hbm>>
      %dma_start3A_29 = tpu.memref_squeeze %dma_start3A_28 : memref<1x4096xi32, #tpu.memory_space<hbm>> -> memref<4096xi32, #tpu.memory_space<hbm>>
      tpu.enqueue_dma source(%dma_start3A_29 : memref<4096xi32, #tpu.memory_space<hbm>>) target(%arg8 : memref<4096xi32, #tpu.memory_space<vmem>>) target_semaphore(%run_scoped3A_25 : memref<!tpu.dma_semaphore, #tpu.memory_space<semaphore_mem>>)
      %dma_wait3A_30 = tpu.memref_slice %arg3[%run_scoped3A_6, %mul3A_0] : memref<2x16384xi32, #tpu.memory_space<hbm>> -> memref<1x4096xi32, #tpu.memory_space<hbm>>
      %dma_wait3A_31 = tpu.memref_squeeze %dma_wait3A_30 : memref<1x4096xi32, #tpu.memory_space<hbm>> -> memref<4096xi32, #tpu.memory_space<hbm>>
      %dma_wait3A_32 = tpu.memref_slice %arg3[%run_scoped3A_6, %mul3A_0] : memref<2x16384xi32, #tpu.memory_space<hbm>> -> memref<1x4096xi32, #tpu.memory_space<hbm>>
      %dma_wait3A_33 = tpu.memref_squeeze %dma_wait3A_32 : memref<1x4096xi32, #tpu.memory_space<hbm>> -> memref<4096xi32, #tpu.memory_space<hbm>>
      tpu.wait_dma2 semaphore(%run_scoped3A_25 : memref<!tpu.dma_semaphore, #tpu.memory_space<semaphore_mem>>) src(%dma_wait3A_33 : memref<4096xi32, #tpu.memory_space<hbm>>) dst(%arg8 : memref<4096xi32, #tpu.memory_space<vmem>>)
      tpu.yield
    }) : () -> ()
    %dma_wait3A = arith.constant 0 : i32
    %dma_wait3A_7 = tpu.memref_slice %arg2[%arg1, %dma_wait3A] : memref<16x100000xf32, #tpu.memory_space<hbm>> -> memref<1x100000xf32, #tpu.memory_space<hbm>>
    %dma_wait3A_8 = tpu.memref_squeeze %dma_wait3A_7 : memref<1x100000xf32, #tpu.memory_space<hbm>> -> memref<100000xf32, #tpu.memory_space<hbm>>
    %dma_wait3A_9 = arith.constant 0 : i32
    %dma_wait3A_10 = tpu.memref_slice %arg2[%arg1, %dma_wait3A_9] : memref<16x100000xf32, #tpu.memory_space<hbm>> -> memref<1x100000xf32, #tpu.memory_space<hbm>>
    %dma_wait3A_11 = tpu.memref_squeeze %dma_wait3A_10 : memref<1x100000xf32, #tpu.memory_space<hbm>> -> memref<100000xf32, #tpu.memory_space<hbm>>
    tpu.wait_dma2 semaphore(%arg12 : memref<!tpu.dma_semaphore, #tpu.memory_space<semaphore_mem>>) src(%dma_wait3A_11 : memref<100000xf32, #tpu.memory_space<hbm>>) dst(%arg6 : memref<100000xf32, #tpu.memory_space<vmem>>)
    %scan3A = arith.constant 0 : i32
    %scan3A_12 = arith.constant 2 : i32
    %scan3A_13 = arith.addi %scan3A, %scan3A_12 : i32
    %scan3A_14 = arith.constant 1 : i32
    scf.for %scan3A_25 = %scan3A to %scan3A_13 step %scan3A_14  : i32 {
      %mul3A_26 = arith.constant 4096 : i32
      %mul3A_27 = arith.muli %scan3A_25, %mul3A_26 : i32
      %add3A_28 = arith.addi %mul3A_0, %mul3A_27 : i32
      %gt3A = arith.constant 0 : i32
      %gt3A_29 = arith.cmpi sgt, %scan3A_25, %gt3A : i32
      %convert_element_type3A = arith.extui %gt3A_29 : i1 to i32
      %cond3A = arith.constant 0 : i32
      %cond3A_30 = arith.cmpi ne, %convert_element_type3A, %cond3A : i32
      scf.if %cond3A_30 {
        %run_scoped3A_35 = arith.constant 0 : i32
        "tpu.region"() ({
          %run_scoped3A_37 = tpu.sem_alloc : memref<!tpu.dma_semaphore, #tpu.memory_space<semaphore_mem>>
          %dma_start3A_38 = tpu.memref_slice %arg3[%run_scoped3A_35, %add3A_28] : memref<2x16384xi32, #tpu.memory_space<hbm>> -> memref<1x4096xi32, #tpu.memory_space<hbm>>
          %dma_start3A_39 = tpu.memref_squeeze %dma_start3A_38 : memref<1x4096xi32, #tpu.memory_space<hbm>> -> memref<4096xi32, #tpu.memory_space<hbm>>
          %dma_start3A_40 = tpu.memref_slice %arg3[%run_scoped3A_35, %add3A_28] : memref<2x16384xi32, #tpu.memory_space<hbm>> -> memref<1x4096xi32, #tpu.memory_space<hbm>>
          %dma_start3A_41 = tpu.memref_squeeze %dma_start3A_40 : memref<1x4096xi32, #tpu.memory_space<hbm>> -> memref<4096xi32, #tpu.memory_space<hbm>>
          tpu.enqueue_dma source(%dma_start3A_41 : memref<4096xi32, #tpu.memory_space<hbm>>) target(%arg7 : memref<4096xi32, #tpu.memory_space<vmem>>) target_semaphore(%run_scoped3A_37 : memref<!tpu.dma_semaphore, #tpu.memory_space<semaphore_mem>>)
          %dma_wait3A_42 = tpu.memref_slice %arg3[%run_scoped3A_35, %add3A_28] : memref<2x16384xi32, #tpu.memory_space<hbm>> -> memref<1x4096xi32, #tpu.memory_space<hbm>>
          %dma_wait3A_43 = tpu.memref_squeeze %dma_wait3A_42 : memref<1x4096xi32, #tpu.memory_space<hbm>> -> memref<4096xi32, #tpu.memory_space<hbm>>
          %dma_wait3A_44 = tpu.memref_slice %arg3[%run_scoped3A_35, %add3A_28] : memref<2x16384xi32, #tpu.memory_space<hbm>> -> memref<1x4096xi32, #tpu.memory_space<hbm>>
          %dma_wait3A_45 = tpu.memref_squeeze %dma_wait3A_44 : memref<1x4096xi32, #tpu.memory_space<hbm>> -> memref<4096xi32, #tpu.memory_space<hbm>>
          tpu.wait_dma2 semaphore(%run_scoped3A_37 : memref<!tpu.dma_semaphore, #tpu.memory_space<semaphore_mem>>) src(%dma_wait3A_45 : memref<4096xi32, #tpu.memory_space<hbm>>) dst(%arg7 : memref<4096xi32, #tpu.memory_space<vmem>>)
          tpu.yield
        }) : () -> ()
        %run_scoped3A_36 = arith.constant 1 : i32
        "tpu.region"() ({
          %run_scoped3A_37 = tpu.sem_alloc : memref<!tpu.dma_semaphore, #tpu.memory_space<semaphore_mem>>
          %dma_start3A_38 = tpu.memref_slice %arg3[%run_scoped3A_36, %add3A_28] : memref<2x16384xi32, #tpu.memory_space<hbm>> -> memref<1x4096xi32, #tpu.memory_space<hbm>>
          %dma_start3A_39 = tpu.memref_squeeze %dma_start3A_38 : memref<1x4096xi32, #tpu.memory_space<hbm>> -> memref<4096xi32, #tpu.memory_space<hbm>>
          %dma_start3A_40 = tpu.memref_slice %arg3[%run_scoped3A_36, %add3A_28] : memref<2x16384xi32, #tpu.memory_space<hbm>> -> memref<1x4096xi32, #tpu.memory_space<hbm>>
          %dma_start3A_41 = tpu.memref_squeeze %dma_start3A_40 : memref<1x4096xi32, #tpu.memory_space<hbm>> -> memref<4096xi32, #tpu.memory_space<hbm>>
          tpu.enqueue_dma source(%dma_start3A_41 : memref<4096xi32, #tpu.memory_space<hbm>>) target(%arg8 : memref<4096xi32, #tpu.memory_space<vmem>>) target_semaphore(%run_scoped3A_37 : memref<!tpu.dma_semaphore, #tpu.memory_space<semaphore_mem>>)
          %dma_wait3A_42 = tpu.memref_slice %arg3[%run_scoped3A_36, %add3A_28] : memref<2x16384xi32, #tpu.memory_space<hbm>> -> memref<1x4096xi32, #tpu.memory_space<hbm>>
          %dma_wait3A_43 = tpu.memref_squeeze %dma_wait3A_42 : memref<1x4096xi32, #tpu.memory_space<hbm>> -> memref<4096xi32, #tpu.memory_space<hbm>>
          %dma_wait3A_44 = tpu.memref_slice %arg3[%run_scoped3A_36, %add3A_28] : memref<2x16384xi32, #tpu.memory_space<hbm>> -> memref<1x4096xi32, #tpu.memory_space<hbm>>
          %dma_wait3A_45 = tpu.memref_squeeze %dma_wait3A_44 : memref<1x4096xi32, #tpu.memory_space<hbm>> -> memref<4096xi32, #tpu.memory_space<hbm>>
          tpu.wait_dma2 semaphore(%run_scoped3A_37 : memref<!tpu.dma_semaphore, #tpu.memory_space<semaphore_mem>>) src(%dma_wait3A_45 : memref<4096xi32, #tpu.memory_space<hbm>>) dst(%arg8 : memref<4096xi32, #tpu.memory_space<vmem>>)
          tpu.yield
        }) : () -> ()
      } else {
      }
      %parallel_loop3A = arith.constant 0 : i32
      %parallel_loop3A_31 = arith.constant 4096 : i32
      %parallel_loop3A_32 = arith.constant 16 : i32
      scf.for %parallel_loop3A_35 = %parallel_loop3A to %parallel_loop3A_31 step %parallel_loop3A_32  : i32 {
        %parallel_loop3A_36 = arith.index_cast %parallel_loop3A_35 : i32 to index
        %parallel_loop3A_37 = tpu.vector_load %arg7[%parallel_loop3A_36] {strides = array<i32>} : memref<4096xi32, #tpu.memory_space<vmem>>, vector<16xi32>,
        %parallel_loop3A_38 = arith.index_cast %parallel_loop3A_35 : i32 to index
        %parallel_loop3A_39 = tpu.vector_load %arg8[%parallel_loop3A_38] {strides = array<i32>} : memref<4096xi32, #tpu.memory_space<vmem>>, vector<16xi32>,
        %parallel_loop3A_40 = tpu.vector_load_idx %arg6[%parallel_loop3A_37] : memref<100000xf32, #tpu.memory_space<vmem>>[vector<16xi32>], vector<16xf32>,
        %parallel_loop3A_41 = tpu.vector_load_idx %arg6[%parallel_loop3A_39] : memref<100000xf32, #tpu.memory_space<vmem>>[vector<16xi32>], vector<16xf32>,
        %parallel_loop3A_42 = arith.mulf %parallel_loop3A_40, %parallel_loop3A_41 : vector<16xf32>
        %parallel_loop3A_43 = arith.index_cast %parallel_loop3A_35 : i32 to index
        %parallel_loop3A_44 = tpu.vector_load %arg9[%parallel_loop3A_43] {strides = array<i32>} : memref<4096xf32, #tpu.memory_space<vmem>>, vector<16xf32>,
        tpu.vector_store %arg9[%parallel_loop3A_43], %parallel_loop3A_42 {strides = array<i32>} : memref<4096xf32, #tpu.memory_space<vmem>>, vector<16xf32>,
      } {sc.loop_unroll_factor = 8 : i64, sc.parallel_access}
      %mul3A_33 = arith.constant 4096 : i32
      %mul3A_34 = arith.muli %scan3A_25, %mul3A_33 : i32
      "tpu.region"() ({
        %run_scoped3A_35 = tpu.sem_alloc : memref<!tpu.dma_semaphore, #tpu.memory_space<semaphore_mem>>
        %dma_start3A_36 = tpu.memref_slice %arg5[%arg1, %mul3A_34] : memref<16x8192xf32, #tpu.memory_space<vmem_shared>> -> memref<1x4096xf32, #tpu.memory_space<vmem_shared>>
        %dma_start3A_37 = tpu.memref_squeeze %dma_start3A_36 : memref<1x4096xf32, #tpu.memory_space<vmem_shared>> -> memref<4096xf32, #tpu.memory_space<vmem_shared>>
        %dma_start3A_38 = tpu.memref_slice %arg5[%arg1, %mul3A_34] : memref<16x8192xf32, #tpu.memory_space<vmem_shared>> -> memref<1x4096xf32, #tpu.memory_space<vmem_shared>>
        %dma_start3A_39 = tpu.memref_squeeze %dma_start3A_38 : memref<1x4096xf32, #tpu.memory_space<vmem_shared>> -> memref<4096xf32, #tpu.memory_space<vmem_shared>>
        tpu.enqueue_dma source(%arg9 : memref<4096xf32, #tpu.memory_space<vmem>>) target(%dma_start3A_39 : memref<4096xf32, #tpu.memory_space<vmem_shared>>) target_semaphore(%run_scoped3A_35 : memref<!tpu.dma_semaphore, #tpu.memory_space<semaphore_mem>>)
        %dma_wait3A_40 = tpu.memref_slice %arg5[%arg1, %mul3A_34] : memref<16x8192xf32, #tpu.memory_space<vmem_shared>> -> memref<1x4096xf32, #tpu.memory_space<vmem_shared>>
        %dma_wait3A_41 = tpu.memref_squeeze %dma_wait3A_40 : memref<1x4096xf32, #tpu.memory_space<vmem_shared>> -> memref<4096xf32, #tpu.memory_space<vmem_shared>>
        %dma_wait3A_42 = tpu.memref_slice %arg5[%arg1, %mul3A_34] : memref<16x8192xf32, #tpu.memory_space<vmem_shared>> -> memref<1x4096xf32, #tpu.memory_space<vmem_shared>>
        %dma_wait3A_43 = tpu.memref_squeeze %dma_wait3A_42 : memref<1x4096xf32, #tpu.memory_space<vmem_shared>> -> memref<4096xf32, #tpu.memory_space<vmem_shared>>
        tpu.wait_dma2 semaphore(%run_scoped3A_35 : memref<!tpu.dma_semaphore, #tpu.memory_space<semaphore_mem>>) src(%arg9 : memref<4096xf32, #tpu.memory_space<vmem>>) dst(%dma_wait3A_43 : memref<4096xf32, #tpu.memory_space<vmem_shared>>)
        tpu.yield
      }) : () -> ()
    }
    %scan3A_15 = arith.constant 2 : i32
    %barrier3A = arith.constant 0 : index
    tpu.barrier barrier_id(%barrier3A)
    %mul3A_16 = arith.constant 512 : i32
    %mul3A_17 = arith.muli %arg1, %mul3A_16 : i32
    "tpu.region"() ({
      %run_scoped3A_25 = tpu.sem_alloc : memref<!tpu.dma_semaphore, #tpu.memory_space<semaphore_mem>>
      %dma_start3A_26 = arith.constant 0 : i32
      %dma_start3A_27 = tpu.memref_slice %arg5[%dma_start3A_26, %mul3A_17] : memref<16x8192xf32, #tpu.memory_space<vmem_shared>> -> memref<16x512xf32, #tpu.memory_space<vmem_shared>>
      %dma_start3A_28 = arith.constant 0 : i32
      %dma_start3A_29 = tpu.memref_slice %arg5[%dma_start3A_28, %mul3A_17] : memref<16x8192xf32, #tpu.memory_space<vmem_shared>> -> memref<16x512xf32, #tpu.memory_space<vmem_shared>>
      tpu.enqueue_dma source(%dma_start3A_29 : memref<16x512xf32, #tpu.memory_space<vmem_shared>>) target(%arg10 : memref<16x512xf32, #tpu.memory_space<vmem>>) target_semaphore(%run_scoped3A_25 : memref<!tpu.dma_semaphore, #tpu.memory_space<semaphore_mem>>)
      %dma_wait3A_30 = arith.constant 0 : i32
      %dma_wait3A_31 = tpu.memref_slice %arg5[%dma_wait3A_30, %mul3A_17] : memref<16x8192xf32, #tpu.memory_space<vmem_shared>> -> memref<16x512xf32, #tpu.memory_space<vmem_shared>>
      %dma_wait3A_32 = arith.constant 0 : i32
      %dma_wait3A_33 = tpu.memref_slice %arg5[%dma_wait3A_32, %mul3A_17] : memref<16x8192xf32, #tpu.memory_space<vmem_shared>> -> memref<16x512xf32, #tpu.memory_space<vmem_shared>>
      tpu.wait_dma2 semaphore(%run_scoped3A_25 : memref<!tpu.dma_semaphore, #tpu.memory_space<semaphore_mem>>) src(%dma_wait3A_33 : memref<16x512xf32, #tpu.memory_space<vmem_shared>>) dst(%arg10 : memref<16x512xf32, #tpu.memory_space<vmem>>)
      tpu.yield
    }) : () -> ()
    %scan3A_18 = arith.constant 0 : i32
    %scan3A_19 = arith.constant 32 : i32
    %scan3A_20 = arith.addi %scan3A_18, %scan3A_19 : i32
    %scan3A_21 = arith.constant 1 : i32
    scf.for %scan3A_25 = %scan3A_18 to %scan3A_20 step %scan3A_21  : i32 {
      %broadcast_in_dim3A = arith.constant 0.000000e+00 : f32
      %broadcast_in_dim3A_26 = vector.broadcast %broadcast_in_dim3A : f32 to vector<16xf32>
      %mul3A_27 = arith.constant 16 : i32
      %mul3A_28 = arith.muli %scan3A_25, %mul3A_27 : i32
      %get3A = arith.constant 0 : i32
      %get3A_29 = arith.index_cast %get3A : i32 to index
      %get3A_30 = arith.index_cast %mul3A_28 : i32 to index
      %get3A_31 = tpu.vector_load %arg10[%get3A_29, %get3A_30] {strides = array<i32>} : memref<16x512xf32, #tpu.memory_space<vmem>>, vector<16xf32>,
      %add3A_32 = arith.addf %broadcast_in_dim3A_26, %get3A_31 : vector<16xf32>
      %mul3A_33 = arith.constant 16 : i32
      %mul3A_34 = arith.muli %scan3A_25, %mul3A_33 : i32
      %get3A_35 = arith.constant 1 : i32
      %get3A_36 = arith.index_cast %get3A_35 : i32 to index
      %get3A_37 = arith.index_cast %mul3A_34 : i32 to index
      %get3A_38 = tpu.vector_load %arg10[%get3A_36, %get3A_37] {strides = array<i32>} : memref<16x512xf32, #tpu.memory_space<vmem>>, vector<16xf32>,
      %add3A_39 = arith.addf %add3A_32, %get3A_38 : vector<16xf32>
      %mul3A_40 = arith.constant 16 : i32
      %mul3A_41 = arith.muli %scan3A_25, %mul3A_40 : i32
      %get3A_42 = arith.constant 2 : i32
      %get3A_43 = arith.index_cast %get3A_42 : i32 to index
      %get3A_44 = arith.index_cast %mul3A_41 : i32 to index
      %get3A_45 = tpu.vector_load %arg10[%get3A_43, %get3A_44] {strides = array<i32>} : memref<16x512xf32, #tpu.memory_space<vmem>>, vector<16xf32>,
      %add3A_46 = arith.addf %add3A_39, %get3A_45 : vector<16xf32>
      %mul3A_47 = arith.constant 16 : i32
      %mul3A_48 = arith.muli %scan3A_25, %mul3A_47 : i32
      %get3A_49 = arith.constant 3 : i32
      %get3A_50 = arith.index_cast %get3A_49 : i32 to index
      %get3A_51 = arith.index_cast %mul3A_48 : i32 to index
      %get3A_52 = tpu.vector_load %arg10[%get3A_50, %get3A_51] {strides = array<i32>} : memref<16x512xf32, #tpu.memory_space<vmem>>, vector<16xf32>,
      %add3A_53 = arith.addf %add3A_46, %get3A_52 : vector<16xf32>
      %mul3A_54 = arith.constant 16 : i32
      %mul3A_55 = arith.muli %scan3A_25, %mul3A_54 : i32
      %get3A_56 = arith.constant 4 : i32
      %get3A_57 = arith.index_cast %get3A_56 : i32 to index
      %get3A_58 = arith.index_cast %mul3A_55 : i32 to index
      %get3A_59 = tpu.vector_load %arg10[%get3A_57, %get3A_58] {strides = array<i32>} : memref<16x512xf32, #tpu.memory_space<vmem>>, vector<16xf32>,
      %add3A_60 = arith.addf %add3A_53, %get3A_59 : vector<16xf32>
      %mul3A_61 = arith.constant 16 : i32
      %mul3A_62 = arith.muli %scan3A_25, %mul3A_61 : i32
      %get3A_63 = arith.constant 5 : i32
      %get3A_64 = arith.index_cast %get3A_63 : i32 to index
      %get3A_65 = arith.index_cast %mul3A_62 : i32 to index
      %get3A_66 = tpu.vector_load %arg10[%get3A_64, %get3A_65] {strides = array<i32>} : memref<16x512xf32, #tpu.memory_space<vmem>>, vector<16xf32>,
      %add3A_67 = arith.addf %add3A_60, %get3A_66 : vector<16xf32>
      %mul3A_68 = arith.constant 16 : i32
      %mul3A_69 = arith.muli %scan3A_25, %mul3A_68 : i32
      %get3A_70 = arith.constant 6 : i32
      %get3A_71 = arith.index_cast %get3A_70 : i32 to index
      %get3A_72 = arith.index_cast %mul3A_69 : i32 to index
      %get3A_73 = tpu.vector_load %arg10[%get3A_71, %get3A_72] {strides = array<i32>} : memref<16x512xf32, #tpu.memory_space<vmem>>, vector<16xf32>,
      %add3A_74 = arith.addf %add3A_67, %get3A_73 : vector<16xf32>
      %mul3A_75 = arith.constant 16 : i32
      %mul3A_76 = arith.muli %scan3A_25, %mul3A_75 : i32
      %get3A_77 = arith.constant 7 : i32
      %get3A_78 = arith.index_cast %get3A_77 : i32 to index
      %get3A_79 = arith.index_cast %mul3A_76 : i32 to index
      %get3A_80 = tpu.vector_load %arg10[%get3A_78, %get3A_79] {strides = array<i32>} : memref<16x512xf32, #tpu.memory_space<vmem>>, vector<16xf32>,
      %add3A_81 = arith.addf %add3A_74, %get3A_80 : vector<16xf32>
      %mul3A_82 = arith.constant 16 : i32
      %mul3A_83 = arith.muli %scan3A_25, %mul3A_82 : i32
      %get3A_84 = arith.constant 8 : i32
      %get3A_85 = arith.index_cast %get3A_84 : i32 to index
      %get3A_86 = arith.index_cast %mul3A_83 : i32 to index
      %get3A_87 = tpu.vector_load %arg10[%get3A_85, %get3A_86] {strides = array<i32>} : memref<16x512xf32, #tpu.memory_space<vmem>>, vector<16xf32>,
      %add3A_88 = arith.addf %add3A_81, %get3A_87 : vector<16xf32>
      %mul3A_89 = arith.constant 16 : i32
      %mul3A_90 = arith.muli %scan3A_25, %mul3A_89 : i32
      %get3A_91 = arith.constant 9 : i32
      %get3A_92 = arith.index_cast %get3A_91 : i32 to index
      %get3A_93 = arith.index_cast %mul3A_90 : i32 to index
      %get3A_94 = tpu.vector_load %arg10[%get3A_92, %get3A_93] {strides = array<i32>} : memref<16x512xf32, #tpu.memory_space<vmem>>, vector<16xf32>,
      %add3A_95 = arith.addf %add3A_88, %get3A_94 : vector<16xf32>
      %mul3A_96 = arith.constant 16 : i32
      %mul3A_97 = arith.muli %scan3A_25, %mul3A_96 : i32
      %get3A_98 = arith.constant 10 : i32
      %get3A_99 = arith.index_cast %get3A_98 : i32 to index
      %get3A_100 = arith.index_cast %mul3A_97 : i32 to index
      %get3A_101 = tpu.vector_load %arg10[%get3A_99, %get3A_100] {strides = array<i32>} : memref<16x512xf32, #tpu.memory_space<vmem>>, vector<16xf32>,
      %add3A_102 = arith.addf %add3A_95, %get3A_101 : vector<16xf32>
      %mul3A_103 = arith.constant 16 : i32
      %mul3A_104 = arith.muli %scan3A_25, %mul3A_103 : i32
      %get3A_105 = arith.constant 11 : i32
      %get3A_106 = arith.index_cast %get3A_105 : i32 to index
      %get3A_107 = arith.index_cast %mul3A_104 : i32 to index
      %get3A_108 = tpu.vector_load %arg10[%get3A_106, %get3A_107] {strides = array<i32>} : memref<16x512xf32, #tpu.memory_space<vmem>>, vector<16xf32>,
      %add3A_109 = arith.addf %add3A_102, %get3A_108 : vector<16xf32>
      %mul3A_110 = arith.constant 16 : i32
      %mul3A_111 = arith.muli %scan3A_25, %mul3A_110 : i32
      %get3A_112 = arith.constant 12 : i32
      %get3A_113 = arith.index_cast %get3A_112 : i32 to index
      %get3A_114 = arith.index_cast %mul3A_111 : i32 to index
      %get3A_115 = tpu.vector_load %arg10[%get3A_113, %get3A_114] {strides = array<i32>} : memref<16x512xf32, #tpu.memory_space<vmem>>, vector<16xf32>,
      %add3A_116 = arith.addf %add3A_109, %get3A_115 : vector<16xf32>
      %mul3A_117 = arith.constant 16 : i32
      %mul3A_118 = arith.muli %scan3A_25, %mul3A_117 : i32
      %get3A_119 = arith.constant 13 : i32
      %get3A_120 = arith.index_cast %get3A_119 : i32 to index
      %get3A_121 = arith.index_cast %mul3A_118 : i32 to index
      %get3A_122 = tpu.vector_load %arg10[%get3A_120, %get3A_121] {strides = array<i32>} : memref<16x512xf32, #tpu.memory_space<vmem>>, vector<16xf32>,
      %add3A_123 = arith.addf %add3A_116, %get3A_122 : vector<16xf32>
      %mul3A_124 = arith.constant 16 : i32
      %mul3A_125 = arith.muli %scan3A_25, %mul3A_124 : i32
      %get3A_126 = arith.constant 14 : i32
      %get3A_127 = arith.index_cast %get3A_126 : i32 to index
      %get3A_128 = arith.index_cast %mul3A_125 : i32 to index
      %get3A_129 = tpu.vector_load %arg10[%get3A_127, %get3A_128] {strides = array<i32>} : memref<16x512xf32, #tpu.memory_space<vmem>>, vector<16xf32>,
      %add3A_130 = arith.addf %add3A_123, %get3A_129 : vector<16xf32>
      %mul3A_131 = arith.constant 16 : i32
      %mul3A_132 = arith.muli %scan3A_25, %mul3A_131 : i32
      %get3A_133 = arith.constant 15 : i32
      %get3A_134 = arith.index_cast %get3A_133 : i32 to index
      %get3A_135 = arith.index_cast %mul3A_132 : i32 to index
      %get3A_136 = tpu.vector_load %arg10[%get3A_134, %get3A_135] {strides = array<i32>} : memref<16x512xf32, #tpu.memory_space<vmem>>, vector<16xf32>,
      %add3A_137 = arith.addf %add3A_130, %get3A_136 : vector<16xf32>
      %mul3A_138 = arith.constant 16 : i32
      %mul3A_139 = arith.muli %scan3A_25, %mul3A_138 : i32
      %swap3A = arith.index_cast %mul3A_139 : i32 to index
      %swap3A_140 = tpu.vector_load %arg11[%swap3A] {strides = array<i32>} : memref<512xf32, #tpu.memory_space<vmem>>, vector<16xf32>,
      tpu.vector_store %arg11[%swap3A], %add3A_137 {strides = array<i32>} : memref<512xf32, #tpu.memory_space<vmem>>, vector<16xf32>,
    }
    %scan3A_22 = arith.constant 32 : i32
    %mul3A_23 = arith.constant 512 : i32
    %mul3A_24 = arith.muli %arg1, %mul3A_23 : i32
    %add3A = arith.addi %mul3A_0, %mul3A_24 : i32
    "tpu.region"() ({
      %run_scoped3A_25 = tpu.sem_alloc : memref<!tpu.dma_semaphore, #tpu.memory_space<semaphore_mem>>
      %dma_start3A_26 = tpu.memref_slice %arg4[%add3A] : memref<16384xf32, #tpu.memory_space<hbm>> -> memref<512xf32, #tpu.memory_space<hbm>>
      %dma_start3A_27 = tpu.memref_slice %arg4[%add3A] : memref<16384xf32, #tpu.memory_space<hbm>> -> memref<512xf32, #tpu.memory_space<hbm>>
      tpu.enqueue_dma source(%arg11 : memref<512xf32, #tpu.memory_space<vmem>>) target(%dma_start3A_27 : memref<512xf32, #tpu.memory_space<hbm>>) target_semaphore(%run_scoped3A_25 : memref<!tpu.dma_semaphore, #tpu.memory_space<semaphore_mem>>)
      %dma_wait3A_28 = tpu.memref_slice %arg4[%add3A] : memref<16384xf32, #tpu.memory_space<hbm>> -> memref<512xf32, #tpu.memory_space<hbm>>
      %dma_wait3A_29 = tpu.memref_slice %arg4[%add3A] : memref<16384xf32, #tpu.memory_space<hbm>> -> memref<512xf32, #tpu.memory_space<hbm>>
      tpu.wait_dma2 semaphore(%run_scoped3A_25 : memref<!tpu.dma_semaphore, #tpu.memory_space<semaphore_mem>>) src(%arg11 : memref<512xf32, #tpu.memory_space<vmem>>) dst(%dma_wait3A_29 : memref<512xf32, #tpu.memory_space<hbm>>)
      tpu.yield
    }) : () -> ()
    return
  }
}

</mosaic_0001>

<sc_bundles>
// kernel: kernel.3.cloned.1.call-start
scs
__scs_entry_jumppad:
0x0: {  	(pc) =	sbr.rel $0x88, $3  }
0x1: {  	(tag) =	ssettag $0x0;
	lr =	simm.s32 $0x1  }
0x2: {  	[smem:$0x3F9F] =	sst lr;
	_ =	strace $0xD0000000  }
0x3: {  	_ = 	snop  }
0x4: {  	_ = 	snop  }
0x5: {  	_ = 	snop  }
0x6: {  	_ = 	snop  }
0x7: {  	_ = 	snop  }
__scs_overlays_trampoline_lowered:
0x8: {  	[smem:$0x3FAE] =	sst s0  }
0x9: {  	[smem:$0x3FAF] =	sst s1  }
0xa: {  	[smem:$0x3FB0] =	sst s2  }
0xb: {  	[smem:$0x3FB1] =	sst s3  }
0xc: {  	[smem:$0x3FB2] =	sst s4  }
0xd: {  	[smem:$0x3FB3] =	sst s5  }
0xe: {  	[smem:$0x3FB4] =	sst s6  }
0xf: {  	[smem:$0x3FB5] =	sst s7  }
0x10: {  	[smem:$0x3FB6] =	sst s8  }
0x11: {  	[smem:$0x3FB7] =	sst s9;
	s0 =	simm.s32 @!p0 $0x0  }
0x12: {  	s1 =	sld [smem:$0x3F9D];
	s0 =	simm.s32 @p0 $0x1  }
0x13: {  	[smem:$0x3FB8] =	sst s0;
	s0 =	simm.s32 @!p1 $0x0  }
0x14: {  	s2 =	sld [smem:$0x3F9C];
	s0 =	simm.s32 @p1 $0x1  }
0x15: {  	[smem:$0x3FB9] =	sst s0;
	s0 =	simm.s32 @!p2 $0x0  }
0x16: {  	s3 =	sld [smem:$0x3FDB];
	s0 =	simm.s32 @p2 $0x1  }
0x17: {  	s4 =	simm.s32 $0x1BF5;
	[smem:$0x3FBB] =	sst s0  }
0x18: {  	s0 =	sld [smem:$0x3F9E];
	_ =	swait.ge [sflag:s4], $0x0  }
0x19: {  	s7 =	sld [smem:$0x3F9F]  }
0x1a: {  	s8 =	sadd.s32 $0xFFFFE003, lr  }
0x1b: {  	s9 =	sadd.s32 $0xFFFFFEF7, lr;
	s5 =	simm.s32 $0xFFFFFFFF;
	p2 =	slt.u32 s8, $0xFFFFF086  }
0x1c: {  	p1 =	slt.u32 s9, $0xF7A;
	s5 =	simm.s32 @!p2 $0x0  }
0x1d: {  	s5 =	simm.s32 @p1 $0x1;
	p0 =	seq.s32 s7, s2  }
0x1e: {  	s7 =	smul.u32 @!p0 $0xF7A, s2;
	p2 =	seq.s32 @!p0 s5, $0x0  }
0x1f: {  	s9 =	smul.u32 $0xF7A, s1;
	s8 =	simm.s32 @!p0 $0x1BF5;
	p2 =	por !p2, p0  }
0x20: {  	[sflag:s8] =	ssyncset.s32 @!p0 $0xFFFFF086;
	s6 =	sadd.s32 @!p0 s3, s7;
	s7 =	simm.s32 @!p0 $0x108  }
0x21: {  	s3 =	sadd.s32 s3, s9;
	s6 =	sadd.s32 @!p0 $0x88, s6;
	s7 =	simm.s32 @p2 $0x1082  }
0x22: {  	[simem:s7], [sflag:s8] =	dma.local @!p0 [hbm:s6], $0xF7A  }
0x23: {  	s9 =	sor.u32 $0xD0000000, s2;
	s6 =	simm.s32 $0x108;
	_ =	swait.ge @!p0 [sflag:s8], $0x0  }
0x24: {  	s3 =	sadd.s32 $0x88, s3;
	s6 =	simm.s32 @!p1 $0x1082;
	[sflag:s4] =	ssyncset.s32 $0xFFFFF086  }
0x25: {  	[simem:s6], [sflag:s4] =	dma.local [hbm:s3], $0xF7A  }
0x26: {  	[smem:$0x3F9F] =	sst s1;
	(tag) =	ssettag s2;
	_ =	strace s9  }
0x27: {  	s1 =	sld [smem:$0x3FAF]  }
0x28: {  	s2 =	sld [smem:$0x3FB0]  }
0x29: {  	s4 =	sld [smem:$0x3FB2]  }
0x2a: {  	p0 =	seq.s32 s5, $0x0;
	s5 =	sld [smem:$0x3FB3]  }
0x2b: {  	s6 =	sld [smem:$0x3FB4]  }
0x2c: {  	s7 =	sld [smem:$0x3FB5]  }
0x2d: {  	s3 =	simm.s32 $0x108;
	s8 =	sld [smem:$0x3FB6]  }
0x2e: {  	s3 =	simm.s32 @!p0 $0x1082;
	s9 =	sld [smem:$0x3FB7]  }
0x2f: {  	lr =	sadd.s32 s0, s3;
	s0 =	sld [smem:$0x3FAE]  }
0x30: {  	s3 =	sld [smem:$0x3FB1]  }
0x31: {  	[smem:$0x3FBA] =	sst s10  }
0x32: {  	s10 =	sld [smem:$0x3FB8];
	_ =	sdelay $0x3  }
0x33: {  	p0 =	seq.s32 s10, $0x1;
	s10 =	sld [smem:$0x3FBA];
	_ =	sdelay $0x3  }
0x34: {  	[smem:$0x3FBA] =	sst s10  }
0x35: {  	s10 =	sld [smem:$0x3FB9];
	_ =	sdelay $0x3  }
0x36: {  	p1 =	seq.s32 s10, $0x1;
	s10 =	sld [smem:$0x3FBA];
	_ =	sdelay $0x3  }
0x37: {  	[smem:$0x3FBA] =	sst s10  }
0x38: {  	s10 =	sld [smem:$0x3FBB]  }
0x39: {  	_ = 	snop;
	(pc) =	sbr.ind lr, $3  }
0x3a: {  	_ = 	snop  }
0x3b: {  	_ = 	snop  }
0x3c: {  	p2 =	seq.s32 s10, $0x1;
	s10 =	sld [smem:$0x3FBA]  }
0x3d: {  	_ =	shalt  }
0x3e: {  	_ =	shalt  }
0x3f: {  	_ =	shalt  }
0x40: {  	_ =	shalt  }
0x41: {  	_ =	shalt  }
0x42: {  	_ =	shalt  }
0x43: {  	_ =	shalt  }
0x44: {  	_ =	shalt  }
0x45: {  	_ =	shalt  }
0x46: {  	_ =	shalt  }
0x47: {  	_ =	shalt  }
0x48: {  	_ =	shalt  }
0x49: {  	_ =	shalt  }
0x4a: {  	_ =	shalt  }
0x4b: {  	_ =	shalt  }
0x4c: {  	_ =	shalt  }
0x4d: {  	_ =	shalt  }
0x4e: {  	_ =	shalt  }
0x4f: {  	_ =	shalt  }
0x50: {  	_ =	shalt  }
0x51: {  	_ =	shalt  }
0x52: {  	_ =	shalt  }
0x53: {  	_ =	shalt  }
0x54: {  	_ =	shalt  }
0x55: {  	_ =	shalt  }
0x56: {  	_ =	shalt  }
0x57: {  	_ =	shalt  }
0x58: {  	_ =	shalt  }
0x59: {  	_ =	shalt  }
0x5a: {  	_ =	shalt  }
0x5b: {  	_ =	shalt  }
0x5c: {  	_ =	shalt  }
0x5d: {  	_ =	shalt  }
0x5e: {  	_ =	shalt  }
0x5f: {  	_ =	shalt  }
0x60: {  	_ =	shalt  }
0x61: {  	_ =	shalt  }
0x62: {  	_ =	shalt  }
0x63: {  	_ =	shalt  }
0x64: {  	_ =	shalt  }
0x65: {  	_ =	shalt  }
0x66: {  	_ =	shalt  }
0x67: {  	_ =	shalt  }
0x68: {  	_ =	shalt  }
0x69: {  	_ =	shalt  }
0x6a: {  	_ =	shalt  }
0x6b: {  	_ =	shalt  }
0x6c: {  	_ =	shalt  }
0x6d: {  	_ =	shalt  }
0x6e: {  	_ =	shalt  }
0x6f: {  	_ =	shalt  }
0x70: {  	_ =	shalt  }
0x71: {  	_ =	shalt  }
0x72: {  	_ =	shalt  }
0x73: {  	_ =	shalt  }
0x74: {  	_ =	shalt  }
0x75: {  	_ =	shalt  }
0x76: {  	_ =	shalt  }
0x77: {  	_ =	shalt  }
0x78: {  	_ =	shalt  }
0x79: {  	_ =	shalt  }
0x7a: {  	_ =	shalt  }
0x7b: {  	_ =	shalt  }
0x7c: {  	_ =	shalt  }
0x7d: {  	_ =	shalt  }
0x7e: {  	_ =	shalt  }
0x7f: {  	_ =	shalt  }
0x80: {  	_ =	shalt  }
0x81: {  	_ =	shalt  }
0x82: {  	_ =	shalt  }
0x83: {  	_ =	shalt  }
0x84: {  	_ =	shalt  }
0x85: {  	_ =	shalt  }
0x86: {  	_ =	shalt  }
0x87: {  	_ =	shalt  }
.Lfunc_end0:
.L_simem_size_0:
called_computation_lowered:
.L_overlay_start_0:
0x88: {  	s2 =	sld [smem:$0x3FD9]  }
0x89: {  	s3 =	sld [smem:$0x3FFE];
	_ =	sdelay $0x1  }
0x8a: {  	s1 =	srdreg.scid  }
0x8b: {  	s0 =	sand.u32 $0x1, s1  }
0x8c: {  	s18 =	sshll.u32 s0, $0xA;
	s2 =	sadd.s32 s3, s2  }
0x8d: {  	s2 =	sadd.s32 s2, s18  }
0x8e: {  	[smem:$0x3FC6] =	sst s2  }
0x8f: {  	_ = 	snop  }
0x90: {  	s2 =	sld [smem:$0x3FC9]  }
0x91: {  	s19 =	sld [smem:$0x3FC8]  }
0x92: {  	s4 =	sld [smem:$0x3FD0];
	(tm) =	ssettm $0x1  }
0x93: {  	s5 =	sld [smem:$0x3FFB];
	_ =	sdelay $0x3  }
0x94: {  	_ =	strace s5  }
0x95: {  	s5 =	sld [smem:$0x3FFC];
	_ =	sdelay $0x3  }
0x96: {  	_ =	strace s5  }
0x97: {  	s5 =	sld [smem:$0x3FFD];
	_ =	sdelay $0x3  }
0x98: {  	_ =	strace s5  }
0x99: {  	_ =	strace $0x8FFFFFFF  }
0x9a: {  	s20 =	sld [smem:$0x3FDB];
	_ =	sdelay $0x1  }
0x9b: {  	s6 =	simm.s32 $_scs_section_size  }
0x9c: {  	s7 =	simm.s32 $_size__tile_overlayer_lowered;
	s8 =	simm.s32 $_tile_overlayer_lowered  }
0x9d: {  	s23 =	simm.s32 $0x1BFF;
	s22 =	sshll.u32 s8, $0x1;
	s5 =	sadd.s32 s6, s20  }
0x9e: {  	s9 =	simm.s32 $0x0;
	s21 =	sshll.u32 s7, $0x1;
	s7 =	sadd.s32 s22, s5  }
0x9f: {  	[timem:s9], [sflag:s23] =	dma.local [hbm:s7], s21  }
0xa0: {  	_ =	swait.ge [sflag:s23], s21  }
0xa1: {  	s6 =	ssub.s32 $0x0, s21;
	[sflag:s23] =	ssyncset.done $0x0  }
0xa2: {  	[sflag:s23] =	ssyncadd.s32 s6;
	_ =	sdelay $0x1  }
0xa3: {  	s24 =	simm.s32 $0x1B8B  }
0xa4: {  	_ =	swait.ge [sflag:s24], $0x1  }
0xa5: {  	[sflag:s24] =	ssyncset.done $0x0  }
0xa6: {  	s25 =	simm.s32 $0x1B8E;
	[sflag:s24] =	ssyncadd.s32 $0xFFFFFFFF  }
0xa7: {  	s26 =	simm.s32 $execute0_lowered;
	[smem:$0x3FD2] =	sst s25  }
0xa8: {  	s6 =	sshll.u32 s26, $0x1;
	_ =	strace $0x80000046;
	[dreg:$0x1] =	wrdreg $0xFFFFFFFF  }
0xa9: {  	s28 =	simm.s32 $_size_execute0_lowered;
	s5 =	sadd.s32 s5, s6;
	[dreg:$0x0] =	wrdreg $0x0  }
0xaa: {  	s6 =	sshll.u32 s28, $0x1;
	[dreg:$0x2] =	wrdreg s5  }
0xab: {  	[dreg:$0x3] =	wrdreg s6  }
0xac: {  	[dreg:$0x4] =	wrdreg $0xC0  }
0xad: {  	_ =	task [dreg:s9], $0x5FFFF  }
0xae: {  	[dreg:$0x1] =	wrdreg $0xFFFFFFFF  }
0xaf: {  	[dreg:$0x0] =	wrdreg $0x60  }
0xb0: {  	[dreg:$0x2] =	wrdreg s19  }
0xb1: {  	[dreg:$0x3] =	wrdreg s2  }
0xb2: {  	[dreg:$0x4] =	wrdreg s4  }
0xb3: {  	[dreg:$0x5] =	wrdreg $0x0  }
0xb4: {  	[dreg:$0x6] =	wrdreg $0x9  }
0xb5: {  	_ =	task.clear_ibuf [dreg:s9], $0x7FFFF;
	_ =	strace $0x90000046  }
0xb6: {  	s29 =	simm.s32 $0x9;
	_ =	strace $0x80000048  }
0xb7: {  	_ =	swait.ge [sflag:s29], $0x1  }
0xb8: {  	[sflag:s29] =	ssyncadd.s32 $0xFFFFFFFF  }
0xb9: {  	_ =	strace $0x90000048  }
0xba: {  	_ =	sfence  }
0xbb: {  	s30 =	sld [smem:$0x0];
	_ =	sdelay $0x2  }
0xbc: {  	s31 =	sshll.u32 s1, $0xD;
	s1 =	sshrl.u32 s1, $0x2  }
0xbd: {  	s3 =	sand.u32 $0x4000, s31;
	s1 =	sadd.s32 s1, s30  }
0xbe: {  	s0 =	sor.u32 s3, s0;
	s1 =	sshll.u32 s1, $0x11  }
0xbf: {  	s0 =	sor.u32 s1, s0  }
0xc0: {  	s0 =	sadd.s32 $0x8F2B, s0  }
0xc1: {  	[sflag:s0] =	ssyncadd.remote.s32 $0x1  }
0xc2: {  	_ =	sfence.sel $0xFFFF  }
0xc3: {  	[dreg:$0x0] =	wrdreg $0xFFFFFFFF;
	(pc) =	sbr.abs _section_cstart, $3  }
0xc4: {  	[dreg:$0x1] =	wrdreg $0xFFFFFFFF  }
0xc5: {  	_ =	task.clear_ibuf [dreg:s9], $0x2FFFF;
	_ =	strace $0x9FFFFFFF  }
0xc6: {  	(tm) =	ssettm $0x7FFFFFFF  }
0xc7: {  	_ =	shalt  }
tec
execute0_lowered:
.L_overlay_start_1:
0x0: {  	(tag) =	ssettag $0x1  }
0x1: {  	s4 =	rddreg [dreg:$0x0]  }
0x2: {  	s3 =	rddreg [dreg:$0x1]  }
0x3: {  	s8 =	rddreg [dreg:$0x2]  }
0x4: {  	s9 =	rddreg [dreg:$0x3]  }
0x5: {  	s0 =	rddreg [dreg:$0x4]  }
0x6: {  	s2 =	simm.s32 $0x0;
	s5 =	srdreg.scid;
	s1 =	stileid.u32  }
0x7: {  	s16 =	simm.s32 $0x1A700;
	s17 =	simm.s32 $0x2;
	s18 =	simm.s32 $0x1B700  }
0x8: {  	s19 =	simm.s32 $0x1;
	s20 =	simm.s32 $0x1C700;
	s21 =	simm.s32 $0x1000  }
0x9: {  	s22 =	simm.s32 $0x10000;
	s23 =	simm.s32 $0x1D700;
	s24 =	simm.s32 $0x1F700  }
0xa: {  	s25 =	simm.s32 $0x0;
	[smem:$0x7FF] =	sst s2;
	s5 =	sand.u32 $0x1, s5  }
0xb: {  	s10 =	sshrl.u32 s1, $0x3;
	s7 =	sshll.u32 s1, $0x7;
	s14 =	sshll.u32 s1, $0x6  }
0xc: {  	s15 =	sshll.u32 s1, $0xC;
	s6 =	ssub.s32 $0x2, s5;
	s11 =	smul.u32 $0xC3800, s10  }
0xd: {  	_ =	strace $0x80000047;
	s13 =	sand.u32 $0x380, s7;
	s29 =	sshll.u32 s5, $0xB  }
0xe: {  	s30 =	sshll.u32 s5, $0xA;
	s10 =	sshll.u32 s10, $0x10;
	s14 =	sadd.s32 s8, s14  }
0xf: {  	s12 =	sshrl.u32 s6, $0x1;
	s3 =	sadd.s32 s3, s29;
	s10 =	sadd.s32 s10, s9  }
0x10: {  	s9 =	sadd.s32 s15, s9;
	s15 =	simm.s32 $0x100;
	s12 =	ssub.s32 s6, s12  }
0x11: {  	s28 =	sor.u32 s13, s11;
	s5 =	sadd.s32 $0x10, s3;
	s6 =	sadd.s32 $0x400, s3  }
0x12: {  	s7 =	sadd.s32 $0x410, s3;
	s8 =	sadd.s32 s13, s10;
	s10 =	sadd.s32 s30, s14  }
0x13: {  	s13 =	simm.s32 $0x400;
	s14 =	simm.s32 $0x2000;
	s31 =	sshrl.u32 s28, $0x3  }
0x14: {  	s11 =	smax.u32 s12, $0x1;
	s12 =	simm.s32 $0x80;
	s4 =	sadd.s32 s4, s31  }
.LBB2_1:
0x15: {  	[tilespmem:s14], [sflag:$0x1] =	stream.strided.gather [hbm4b:s4+s12], $0x18700, s13, s12, $0x38;
	[tilespmem:$0x1F900] =	vst v63  }
0x16: {  	_ = 	snop  }
0x17: {  	[tilespmem:s16], [sflag:$0x2] =	stream.strided.gather [hbm4b:s3+s12], $0x1000, s15, s12, $0x38;
	[tilespmem:$0x1F900] =	vst v63  }
0x18: {  	_ =	swait.ge [sflag:s17], $0x1000  }
0x19: {  	[sflag:s17] =	ssyncset.done $0x0  }
0x1a: {  	[sflag:s17] =	ssyncadd.s32 $0xFFFFF000  }
0x1b: {  	[tilespmem:s18], [sflag:$0x2] =	stream.strided.gather [hbm4b:s5+s12], $0x1000, s15, s12, $0x38;
	[tilespmem:$0x1F900] =	vst v63  }
0x1c: {  	_ =	swait.ge [sflag:s17], $0x1000  }
0x1d: {  	[sflag:s17] =	ssyncset.done $0x0  }
0x1e: {  	[sflag:s17] =	ssyncadd.s32 $0xFFFFF000  }
0x1f: {  	_ =	swait.ge [sflag:s19], $0x18700  }
0x20: {  	p1 =	por $0x1, $0x1;
	[sflag:s19] =	ssyncset.done $0x0  }
0x21: {  	p2 =	por $0x0, $0x0;
	s26 =	simm.s32 $0x0;
	[sflag:s19] =	ssyncadd.s32 $0xFFFE7900  }
.LBB2_2:
0x22: {  	s28 =	simm.s32 @p2 $0x80;
	s29 =	simm.s32 @p2 $0x100;
	s30 =	simm.s32 @p2 $0x1A700  }
0x23: {  	[tilespmem:s30], [sflag:$0x2] =	stream.strided.gather @p2 [hbm4b:s6+s28], $0x1000, s29, s28, $0x38;
	[tilespmem:$0x1F900] =	vst v63  }
0x24: {  	s30 =	simm.s32 @p2 $0x2  }
0x25: {  	_ =	swait.ge @p2 [sflag:s30], $0x1000  }
0x26: {  	[sflag:s30] =	ssyncset.done @p2 $0x0  }
0x27: {  	s31 =	simm.s32 @p2 $0x1B700;
	[sflag:s30] =	ssyncadd.s32 @p2 $0xFFFFF000  }
0x28: {  	[tilespmem:s31], [sflag:$0x2] =	stream.strided.gather @p2 [hbm4b:s7+s28], $0x1000, s29, s28, $0x38;
	[tilespmem:$0x1F900] =	vst v63  }
0x29: {  	_ =	swait.ge @p2 [sflag:s30], $0x1000  }
0x2a: {  	[sflag:s30] =	ssyncset.done @p2 $0x0  }
0x2b: {  	s29 =	simm.s32 $0x1A740;
	[sflag:s30] =	ssyncadd.s32 @p2 $0xFFFFF000  }
0x2c: {  	s28 =	simm.s32 $0x1B740;
	v0 =	vld [tilespmem:s29+$0x30]  }
0x2d: {  	v1 =	vld [tilespmem:s28+$0x30]  }
0x2e: {  	v2 =	vld [tilespmem:s28+$0xFFFFFFC0]  }
0x2f: {  	v3 =	vld [tilespmem:s29+$0xFFFFFFD0]  }
0x30: {  	v4 =	vld [tilespmem:s28+$0xFFFFFFD0]  }
0x31: {  	v5 =	vld [tilespmem:s29+$0xFFFFFFE0]  }
0x32: {  	v6 =	vld [tilespmem:s28+$0xFFFFFFE0]  }
0x33: {  	v7 =	vld [tilespmem:s29+$0xFFFFFFF0]  }
0x34: {  	v9 =	vld [tilespmem:s29+$0x0]  }
0x35: {  	v10 =	vld [tilespmem:s28+$0x0]  }
0x36: {  	v11 =	vld [tilespmem:s29+$0x10]  }
0x37: {  	v12 =	vld [tilespmem:s28+$0x10]  }
0x38: {  	v13 =	vld [tilespmem:s29+$0x20]  }
0x39: {  	v14 =	vld [tilespmem:s28+$0x20]  }
0x3a: {  	v15 =	vld [tilespmem:s29+$0xFFFFFFC0]  }
0x3b: {  	v8 =	vld.idx.msk [tilespmem:v0+s14+$0x0], $0xffff  }
0x3c: {  	v1 =	vld.idx.msk [tilespmem:v1+s14+$0x0], $0xffff  }
0x3d: {  	v0 =	vld [tilespmem:s28+$0xFFFFFFF0]  }
0x3e: {  	v16 =	vld.idx.msk [tilespmem:v2+s14+$0x0], $0xffff  }
0x3f: {  	v3 =	vld.idx.msk [tilespmem:v3+s14+$0x0], $0xffff  }
0x40: {  	v4 =	vld.idx.msk [tilespmem:v4+s14+$0x0], $0xffff  }
0x41: {  	v5 =	vld.idx.msk [tilespmem:v5+s14+$0x0], $0xffff  }
0x42: {  	v6 =	vld.idx.msk [tilespmem:v6+s14+$0x0], $0xffff  }
0x43: {  	v7 =	vld.idx.msk [tilespmem:v7+s14+$0x0], $0xffff  }
0x44: {  	v15 =	vld.idx.msk [tilespmem:v15+s14+$0x0], $0xffff  }
0x45: {  	v17 =	vld.idx.msk [tilespmem:v0+s14+$0x0], $0xffff  }
0x46: {  	v2 =	vld.idx.msk [tilespmem:v10+s14+$0x0], $0xffff  }
0x47: {  	v8 =	vmul.f32 v1, v8;
	v1 =	vld.idx.msk [tilespmem:v11+s14+$0x0], $0xffff  }
0x48: {  	s29 =	simm.s32 $0x1C740;
	v3 =	vmul.f32 v4, v3;
	v0 =	vld.idx.msk [tilespmem:v9+s14+$0x0], $0xffff  }
0x49: {  	v5 =	vmul.f32 v6, v5;
	v4 =	vld.idx.msk [tilespmem:v12+s14+$0x0], $0xffff;
	[tilespmem:s29+$0x30] =	vst v8  }
0x4a: {  	[tilespmem:s29+$0xFFFFFFD0] =	vst v3;
	v3 =	vld.idx.msk [tilespmem:v13+s14+$0x0], $0xffff;
	v7 =	vmul.f32 v17, v7  }
0x4b: {  	p0 =	por p1, p1;
	s31 =	simm.s32 $0x1A7C0;
	s30 =	simm.s32 $0x0;
	v6 =	vmul.f32 v16, v15;
	[tilespmem:s29+$0xFFFFFFE0] =	vst v5;
	v5 =	vld.idx.msk [tilespmem:v14+s14+$0x0], $0xffff  }
.LBB2_3:
0x4c: {  	v8 =	vld [tilespmem:s31+$0x30];
	[tilespmem:s29+$0xFFFFFFF0] =	vst v7;
	s28 =	sadd.s32 $0x80, s28  }
0x4d: {  	s30 =	sadd.s32 $0x80, s30;
	v0 =	vmul.f32 v2, v0;
	v7 =	vld [tilespmem:s28+$0x30];
	[tilespmem:s29+$0xFFFFFFC0] =	vst v6  }
0x4e: {  	p1 =	slt.u32 s30, $0xF80;
	v2 =	vld [tilespmem:s28+$0xFFFFFFC0]  }
0x4f: {  	v6 =	vld [tilespmem:s31+$0xFFFFFFD0];
	[tilespmem:s29+$0x0] =	vst v0;
	v0 =	vmul.f32 v4, v1  }
0x50: {  	v1 =	vld [tilespmem:s28+$0xFFFFFFD0]  }
0x51: {  	v4 =	vld [tilespmem:s31+$0xFFFFFFE0];
	[tilespmem:s29+$0x10] =	vst v0;
	v0 =	vmul.f32 v5, v3  }
0x52: {  	v3 =	vld [tilespmem:s28+$0xFFFFFFE0]  }
0x53: {  	v5 =	vld [tilespmem:s31+$0xFFFFFFF0];
	[tilespmem:s29+$0x20] =	vst v0  }
0x54: {  	v0 =	vld.idx.msk [tilespmem:v8+s14+$0x0], $0xffff  }
0x55: {  	v7 =	vld.idx.msk [tilespmem:v7+s14+$0x0], $0xffff  }
0x56: {  	v8 =	vld [tilespmem:s28+$0xFFFFFFF0]  }
0x57: {  	v9 =	vld [tilespmem:s31+$0x0]  }
0x58: {  	v10 =	vld [tilespmem:s28+$0x0]  }
0x59: {  	v11 =	vld [tilespmem:s31+$0x10]  }
0x5a: {  	v12 =	vld [tilespmem:s28+$0x10]  }
0x5b: {  	v0 =	vmul.f32 v7, v0;
	v13 =	vld [tilespmem:s31+$0x20]  }
0x5c: {  	s29 =	sadd.s32 $0x80, s29;
	v14 =	vld [tilespmem:s28+$0x20]  }
0x5d: {  	v7 =	vld [tilespmem:s31+$0xFFFFFFC0];
	[tilespmem:s29+$0x30] =	vst v0  }
0x5e: {  	v15 =	vld.idx.msk [tilespmem:v2+s14+$0x0], $0xffff  }
0x5f: {  	v0 =	vld.idx.msk [tilespmem:v6+s14+$0x0], $0xffff  }
0x60: {  	v1 =	vld.idx.msk [tilespmem:v1+s14+$0x0], $0xffff  }
0x61: {  	v4 =	vld.idx.msk [tilespmem:v4+s14+$0x0], $0xffff  }
0x62: {  	v3 =	vld.idx.msk [tilespmem:v3+s14+$0x0], $0xffff  }
0x63: {  	v5 =	vld.idx.msk [tilespmem:v5+s14+$0x0], $0xffff  }
0x64: {  	v6 =	vld.idx.msk [tilespmem:v8+s14+$0x0], $0xffff  }
0x65: {  	v8 =	vld.idx.msk [tilespmem:v7+s14+$0x0], $0xffff  }
0x66: {  	v1 =	vmul.f32 v1, v0;
	v0 =	vld.idx.msk [tilespmem:v9+s14+$0x0], $0xffff  }
.Ltmp0:
0x67: {  	v2 =	vld.idx.msk [tilespmem:v10+s14+$0x0], $0xffff;
	(pc) =	sbr.rel @p1 .LBB2_3-.Ltmp0, $4  }
0x68: {  	v3 =	vmul.f32 v3, v4;
	[tilespmem:s29+$0xFFFFFFD0] =	vst v1;
	v1 =	vld.idx.msk [tilespmem:v11+s14+$0x0], $0xffff  }
0x69: {  	v4 =	vld.idx.msk [tilespmem:v12+s14+$0x0], $0xffff  }
0x6a: {  	v7 =	vmul.f32 v6, v5;
	[tilespmem:s29+$0xFFFFFFE0] =	vst v3;
	v3 =	vld.idx.msk [tilespmem:v13+s14+$0x0], $0xffff  }
0x6b: {  	s31 =	sadd.s32 $0x80, s31;
	v6 =	vmul.f32 v15, v8;
	v5 =	vld.idx.msk [tilespmem:v14+s14+$0x0], $0xffff  }
0x6c: {  	_ =	sdelay $0x1  }
0x6d: {  	[tilespmem:s29+$0xFFFFFFF0] =	vst v7;
	v0 =	vmul.f32 v2, v0  }
0x6e: {  	[tilespmem:s29+$0xFFFFFFC0] =	vst v6;
	v1 =	vmul.f32 v4, v1  }
0x6f: {  	[tilespmem:s29+$0x0] =	vst v0;
	v63 =	vmul.f32 v5, v3  }
0x70: {  	s26 =	sshra.s32 s26, $0x2;
	[tilespmem:s29+$0x10] =	vst v1  }
.Ltmp1:
0x71: {  	s26 =	sadd.s32 s26, s8;
	[tilespmem:s29+$0x20] =	vst v63;
	(pc) =	sbr.rel @p0 .LBB2_2-.Ltmp1, $4  }
0x72: {  	[spmem:s26] =	stream.strided.scatter [tilespmem:s20], [sflag:$0x2], $0x1000, s13, s12, $0x38;
	[tilespmem:$0x1F900] =	vst v63  }
0x73: {  	_ =	swait.ge [sflag:s17], $0x1000  }
0x74: {  	p1 =	por $0x0, $0x0;
	[sflag:s17] =	ssyncset.done $0x0  }
0x75: {  	p2 =	por $0x1, $0x1;
	s26 =	simm.s32 $0x20000;
	[sflag:s17] =	ssyncadd.s32 $0xFFFFF000  }
0x76: {  	[bflag:$0x0] =	sbarrier.arrive $0xFFFF  }
0x77: {  	[tilespmem:s23], [sflag:$0x2] =	stream.strided.gather [spmem:s9], $0x2000, s22, s21, $0x38;
	[tilespmem:$0x1F900] =	vst v63  }
0x78: {  	s26 =	simm.s32 $0x0;
	_ =	swait.ge [sflag:s17], $0x2000  }
0x79: {  	s28 =	sand.u32 $0x70, s26;
	s26 =	sand.u32 $0xC00, s26;
	[sflag:s17] =	ssyncset.done $0x0  }
0x7a: {  	s26 =	sor.u32 s28, s26;
	[sflag:s17] =	ssyncadd.s32 $0xFFFFE000  }
0x7b: {  	v0 =	vld [tilespmem:s26+$0x1D700]  }
0x7c: {  	s28 =	sadd.s32 $0x1D700, s26  }
0x7d: {  	v1 =	vld [tilespmem:s28+$0x80];
	_ =	sdelay $0x1  }
0x7e: {  	v2 =	vld [tilespmem:s28+$0x100]  }
0x7f: {  	v0 =	vadd.f32 $0.0e+00, v0  }
0x80: {  	v3 =	vld [tilespmem:s28+$0x180]  }
0x81: {  	v0 =	vadd.f32 v1, v0  }
0x82: {  	v1 =	vld [tilespmem:s28+$0x200]  }
0x83: {  	v0 =	vadd.f32 v2, v0  }
0x84: {  	v2 =	vld [tilespmem:s28+$0x280]  }
0x85: {  	v0 =	vadd.f32 v3, v0  }
0x86: {  	v3 =	vld [tilespmem:s28+$0x300]  }
0x87: {  	v0 =	vadd.f32 v1, v0  }
0x88: {  	v1 =	vld [tilespmem:s28+$0x380]  }
0x89: {  	v0 =	vadd.f32 v2, v0  }
0x8a: {  	v2 =	vld [tilespmem:s26+$0x1E700]  }
0x8b: {  	v0 =	vadd.f32 v3, v0  }
0x8c: {  	v3 =	vld [tilespmem:s26+$0x1E780]  }
0x8d: {  	v0 =	vadd.f32 v1, v0  }
0x8e: {  	v1 =	vld [tilespmem:s26+$0x1E800]  }
0x8f: {  	v0 =	vadd.f32 v2, v0  }
0x90: {  	v2 =	vld [tilespmem:s26+$0x1E880]  }
0x91: {  	v0 =	vadd.f32 v3, v0  }
0x92: {  	v3 =	vld [tilespmem:s26+$0x1E900]  }
0x93: {  	v0 =	vadd.f32 v1, v0  }
0x94: {  	v1 =	vld [tilespmem:s26+$0x1E980]  }
0x95: {  	v0 =	vadd.f32 v2, v0  }
0x96: {  	v2 =	vld [tilespmem:s26+$0x1EA00]  }
0x97: {  	v0 =	vadd.f32 v3, v0  }
0x98: {  	v3 =	vld [tilespmem:s26+$0x1EA80]  }
0x99: {  	v0 =	vadd.f32 v1, v0;
	_ =	sdelay $0x1  }
0x9a: {  	v0 =	vadd.f32 v2, v0  }
0x9b: {  	s29 =	simm.s32 $0x10  }
0x9c: {  	s30 =	sand.u32 $0x70, s29;
	s28 =	simm.s32 $0x80;
	v0 =	vadd.f32 v3, v0  }
0x9d: {  	s29 =	simm.s32 $0x20;
	s31 =	sand.u32 $0xC00, s28;
	s26 =	simm.s32 $0x1F700  }
.LBB2_6:
0x9e: {  	p0 =	sne.s32 s29, $0x1F0;
	s30 =	sor.u32 s30, s31;
	[tilespmem:s26+$0x0] =	vst v0  }
0x9f: {  	v0 =	vld [tilespmem:s30+$0x1D700]  }
0xa0: {  	s31 =	sadd.s32 $0x1D700, s30  }
0xa1: {  	v1 =	vld [tilespmem:s31+$0x80];
	_ =	sdelay $0x1  }
0xa2: {  	v2 =	vld [tilespmem:s31+$0x100]  }
0xa3: {  	v0 =	vadd.f32 $0.0e+00, v0  }
0xa4: {  	v3 =	vld [tilespmem:s31+$0x180]  }
0xa5: {  	v0 =	vadd.f32 v1, v0  }
0xa6: {  	v1 =	vld [tilespmem:s31+$0x200]  }
0xa7: {  	v0 =	vadd.f32 v2, v0  }
0xa8: {  	v2 =	vld [tilespmem:s31+$0x280]  }
0xa9: {  	v0 =	vadd.f32 v3, v0  }
0xaa: {  	v3 =	vld [tilespmem:s31+$0x300]  }
0xab: {  	v0 =	vadd.f32 v1, v0  }
0xac: {  	v1 =	vld [tilespmem:s31+$0x380]  }
0xad: {  	v0 =	vadd.f32 v2, v0  }
0xae: {  	v2 =	vld [tilespmem:s30+$0x1E700]  }
0xaf: {  	v0 =	vadd.f32 v3, v0  }
0xb0: {  	v3 =	vld [tilespmem:s30+$0x1E780]  }
0xb1: {  	v0 =	vadd.f32 v1, v0  }
0xb2: {  	v1 =	vld [tilespmem:s30+$0x1E800]  }
0xb3: {  	v0 =	vadd.f32 v2, v0  }
0xb4: {  	v2 =	vld [tilespmem:s30+$0x1E880]  }
0xb5: {  	v0 =	vadd.f32 v3, v0  }
0xb6: {  	v3 =	vld [tilespmem:s30+$0x1E900]  }
0xb7: {  	v0 =	vadd.f32 v1, v0  }
0xb8: {  	v1 =	vld [tilespmem:s30+$0x1E980]  }
0xb9: {  	v0 =	vadd.f32 v2, v0  }
0xba: {  	v2 =	vld [tilespmem:s30+$0x1EA00]  }
0xbb: {  	v0 =	vadd.f32 v3, v0  }
0xbc: {  	v3 =	vld [tilespmem:s30+$0x1EA80]  }
0xbd: {  	v0 =	vadd.f32 v1, v0  }
.Ltmp2:
0xbe: {  	(pc) =	sbr.rel @p0 .LBB2_6-.Ltmp2, $3  }
0xbf: {  	v0 =	vadd.f32 v2, v0;
	_ =	sdelay $0x1  }
0xc0: {  	s28 =	sadd.s32 $0x80, s28;
	s26 =	sadd.s32 $0x10, s26;
	v0 =	vadd.f32 v3, v0  }
0xc1: {  	s31 =	sand.u32 $0xC00, s28;
	s30 =	sand.u32 $0x70, s29;
	s29 =	sadd.s32 $0x10, s29  }
0xc2: {  	s28 =	sor.u32 s30, s31;
	[tilespmem:s26+$0x0] =	vst v0  }
0xc3: {  	v0 =	vld [tilespmem:s28+$0x1D700]  }
0xc4: {  	s29 =	sadd.s32 $0x1D700, s28  }
0xc5: {  	v1 =	vld [tilespmem:s29+$0x80];
	_ =	sdelay $0x1  }
0xc6: {  	v2 =	vld [tilespmem:s29+$0x100]  }
0xc7: {  	v0 =	vadd.f32 $0.0e+00, v0  }
0xc8: {  	v3 =	vld [tilespmem:s29+$0x180]  }
0xc9: {  	v0 =	vadd.f32 v1, v0  }
0xca: {  	v52 =	vld [tilespmem:s29+$0x200]  }
0xcb: {  	v0 =	vadd.f32 v2, v0  }
0xcc: {  	v53 =	vld [tilespmem:s29+$0x280]  }
0xcd: {  	v0 =	vadd.f32 v3, v0  }
0xce: {  	v54 =	vld [tilespmem:s29+$0x300]  }
0xcf: {  	v0 =	vadd.f32 v52, v0  }
0xd0: {  	v55 =	vld [tilespmem:s29+$0x380]  }
0xd1: {  	v0 =	vadd.f32 v53, v0  }
0xd2: {  	v56 =	vld [tilespmem:s28+$0x1E700]  }
0xd3: {  	v0 =	vadd.f32 v54, v0  }
0xd4: {  	v57 =	vld [tilespmem:s28+$0x1E780]  }
0xd5: {  	v0 =	vadd.f32 v55, v0  }
0xd6: {  	v58 =	vld [tilespmem:s28+$0x1E800]  }
0xd7: {  	v0 =	vadd.f32 v56, v0  }
0xd8: {  	v59 =	vld [tilespmem:s28+$0x1E880]  }
0xd9: {  	v0 =	vadd.f32 v57, v0  }
0xda: {  	v60 =	vld [tilespmem:s28+$0x1E900]  }
0xdb: {  	v0 =	vadd.f32 v58, v0  }
0xdc: {  	v61 =	vld [tilespmem:s28+$0x1E980]  }
0xdd: {  	v0 =	vadd.f32 v59, v0  }
0xde: {  	v62 =	vld [tilespmem:s28+$0x1EA00]  }
0xdf: {  	v0 =	vadd.f32 v60, v0  }
0xe0: {  	v63 =	vld [tilespmem:s28+$0x1EA80]  }
0xe1: {  	v0 =	vadd.f32 v61, v0;
	_ =	sdelay $0x1  }
0xe2: {  	v0 =	vadd.f32 v62, v0;
	_ =	sdelay $0x1  }
0xe3: {  	s25 =	sadd.s32 $0x1, s25;
	v0 =	vadd.f32 v63, v0  }
0xe4: {  	s31 =	sadd.s32 $0x10, s26;
	p0 =	sne.s32 s25, s11  }
.Ltmp3:
0xe5: {  	[tilespmem:s31+$0x0] =	vst v0;
	(pc) =	sbr.rel @p0 .LBB2_1-.Ltmp3, $4  }
0xe6: {  	[hbm4b:s10+s2] =	stream.linear.scatter [tilespmem:s24], [sflag:$0x2], $0x200, $0x38;
	[tilespmem:$0x1F900] =	vst v63  }
0xe7: {  	_ =	swait.ge [sflag:s17], $0x200  }
0xe8: {  	[sflag:s17] =	ssyncset.done $0x0  }
0xe9: {  	[sflag:s17] =	ssyncadd.s32 $0xFFFFFE00  }
0xea: {  	_ =	sfence.sel $0x180000  }
0xeb: {  	[bflag:$0x0] =	sbarrier.arrive $0xFFFF  }
0xec: {  	p0 =	sne.s32 s1, $0x0;
	_ =	strace $0x90000047  }
0xed: {  	s0 =	sadd.s32 @!p0 $0x100000, s0;
	[bflag:$0x2] =	sbarrier.arrive $0xFFFF  }
0xee: {  	[sflag:s0] =	ssyncadd.tile.s32 @!p0 $0x1;
	_ =	shalt  }
.Lfunc_end2:
_tile_overlayer_lowered:
.L_overlay_start_2:
0xef: {  	(tag) =	ssettag $0x2  }
0xf0: {  	s0 =	rddreg [dreg:$0x0];
	s2 =	stileid.u32  }
0xf1: {  	s1 =	rddreg [dreg:$0x1];
	p0 =	sne.s32 s2, $0x0  }
0xf2: {  	s3 =	rddreg [dreg:$0x2];
	[bflag:$0x3] =	sbarrier.arrive $0xFFFF;
	s2 =	simm.s32 @!p0 $0x1C02  }
0xf3: {  	[timem:s3], [sflag:s2] =	dma.local @!p0 [hbm:s0], s1  }
0xf4: {  	s0 =	simm.s32 @!p0 $0x2  }
0xf5: {  	_ =	swait.ge @!p0 [sflag:s0], s1  }
0xf6: {  	s1 =	ssub.s32 @!p0 $0x0, s1;
	[sflag:s0] =	ssyncset.done @!p0 $0x0  }
0xf7: {  	[sflag:s0] =	ssyncadd.s32 @!p0 s1  }
0xf8: {  	[bflag:$0x3] =	sbarrier.arrive $0xFFFF  }
0xf9: {  	_ =	shalt  }

</sc_bundles>
